<compile_context>
chip_gen: v7x
topology: tpu7x:2x2x1
jax: 0.10.2.dev20260603
libtpu: 0.0.44.dev20260713+nightly
codegen_flags: <defaults>
</compile_context>

<pallas_src>
import dataclasses
import functools

import jax
import jax.numpy as jnp
from jax import lax
from jax.experimental import pallas as pl
from jax.experimental.pallas import tpu as pltpu
from jax.experimental.pallas import tpu_sc as plsc

_N_TILES = 32
_LANES = 16


@functools.lru_cache(maxsize=None)
def _build_sc_r0(n_edges: int, n_nodes: int, rad_len: int):
    chunk = 5120
    n_chunks = n_edges // chunk
    assert n_edges % chunk == 0 and chunk % 128 == 0
    n_slots = n_chunks // _N_TILES + (1 if n_chunks % _N_TILES else 0)
    if n_slots % 2:
        n_slots += 1

    def body(ei_hbm, z_hbm, rad_hbm, out_hbm,
             zrn_v, rad_v, e0, e1, o0, o1,
             zsem, se0, se1, so0, so1):
        wid = lax.axis_index("s") * 2 + lax.axis_index("c")
        e_bufs, o_bufs = (e0, e1), (o0, o1)
        sem_e, sem_o = (se0, se1), (so0, so1)

        def start_in(cid, b):
            pltpu.async_copy(
                ei_hbm.at[:, pl.ds(cid * chunk, chunk)], e_bufs[b], sem_e[b]
            )

        def wait_in(b):
            pltpu.make_async_copy(
                ei_hbm.at[:, pl.ds(0, chunk)], e_bufs[b], sem_e[b]
            ).wait()

        def start_out(cid, b):
            pltpu.async_copy(
                o_bufs[b], out_hbm.at[pl.ds(cid * chunk, chunk)], sem_o[b]
            )

        def wait_out(b):
            pltpu.make_async_copy(
                o_bufs[b], out_hbm.at[pl.ds(0, chunk)], sem_o[b]
            ).wait()

        pltpu.sync_copy(rad_hbm, rad_v)
        pltpu.async_copy(z_hbm, zrn_v, zsem)
        start_in(wid, 0)
        start_in(wid + _N_TILES, 1)
        pltpu.make_async_copy(z_hbm, zrn_v, zsem).wait()

        @plsc.parallel_loop(0, n_nodes, _LANES, unroll=8)
        def _rn(i):
            zv = zrn_v[pl.ds(i, _LANES)]
            rv = plsc.load_gather(rad_v, [zv])
            zrn_v[pl.ds(i, _LANES)] = plsc.bitcast(rv, jnp.int32)

        plsc.subcore_barrier()

        @pl.loop(0, n_slots, step=2)
        def _slots(t):
            for b in range(2):
                cid = (t + b) * _N_TILES + wid

                @pl.when(cid < n_chunks)
                def _():
                    @pl.when(t + b >= 2)
                    def _():
                        wait_out(b)

                    wait_in(b)

                    @plsc.parallel_loop(0, chunk, _LANES, unroll=8)
                    def _vec(i):
                        sv = e_bufs[b][0, pl.ds(i, _LANES)]
                        rv = e_bufs[b][1, pl.ds(i, _LANES)]
                        rs = plsc.bitcast(
                            plsc.load_gather(zrn_v, [sv]), jnp.float32
                        )
                        rr = plsc.bitcast(
                            plsc.load_gather(zrn_v, [rv]), jnp.float32
                        )
                        o_bufs[b][pl.ds(i, _LANES)] = rs + rr

                    start_out(cid, b)
                    nxt = cid + 2 * _N_TILES

                    @pl.when(nxt < n_chunks)
                    def _():
                        start_in(nxt, b)

        wait_out(0)
        wait_out(1)

    cp = pltpu.CompilerParams(needs_layout_passes=False)
    return pl.kernel(
        body,
        out_type=jax.ShapeDtypeStruct((n_edges,), jnp.float32),
        compiler_params=cp,
        mesh=plsc.VectorSubcoreMesh(
            core_axis_name="c", subcore_axis_name="s",
            num_cores=2, num_subcores=16,
        ),
        scratch_types=[
            pltpu.VMEM((n_nodes,), jnp.int32),
            pltpu.VMEM((rad_len,), jnp.float32),
            pltpu.VMEM((2, chunk), jnp.int32),
            pltpu.VMEM((2, chunk), jnp.int32),
            pltpu.VMEM((chunk,), jnp.float32),
            pltpu.VMEM((chunk,), jnp.float32),
            pltpu.SemaphoreType.DMA,
            pltpu.SemaphoreType.DMA,
            pltpu.SemaphoreType.DMA,
            pltpu.SemaphoreType.DMA,
            pltpu.SemaphoreType.DMA,
        ],
    )


def _tc_w_body(s_ref, d_ref, r0_ref, o_ref):
    t = d_ref[...] / r0_ref[...]
    lt = jnp.log(t)
    tq = jnp.exp(s_ref[1] * lt)
    tqp = jnp.exp(s_ref[2] * lt)
    atq = s_ref[0] * tq
    o_ref[...] = atq / (1.0 + tqp + atq)


@functools.lru_cache(maxsize=None)
def _build_tc_w(n_edges: int):
    block = 256000
    assert n_edges % block == 0
    grid = n_edges // block
    return pl.pallas_call(
        _tc_w_body,
        out_shape=jax.ShapeDtypeStruct((n_edges,), jnp.float32),
        grid=(grid,),
        in_specs=[
            pl.BlockSpec(memory_space=pltpu.SMEM),
            pl.BlockSpec((block,), lambda i: (i,)),
            pl.BlockSpec((block,), lambda i: (i,)),
        ],
        out_specs=pl.BlockSpec((block,), lambda i: (i,)),
    )


def kernel(z, edge_distance, edge_index, q, p, covalent_radii):
    n_edges = edge_distance.shape[0]
    n_nodes = z.shape[0]
    pp = 2.0 * jax.nn.softplus(0.5 * p) + 1.0
    qq = 2.0 * jax.nn.softplus(0.5 * q) + 1.0
    a = -2.0 * (pp + qq - 2.0 * qq * pp) / (pp**2 + pp + qq**2 + qq)
    scalars = jnp.stack([a, qq, qq - pp]).astype(jnp.float32)

    rad_len = 128
    rad = jnp.concatenate(
        [covalent_radii.astype(jnp.float32),
         jnp.zeros((rad_len - covalent_radii.shape[0],), jnp.float32)]
    )
    r0 = _build_sc_r0(n_edges, n_nodes, rad_len)(edge_index, z, rad)

    return _build_tc_w(n_edges)(scalars, edge_distance, r0)

# --- scband reference (transcript-rebuilt; emitter-appended) ---
"""Pipeline reference for scband-distance-weighting-41944650612788 (READ-ONLY COPY).

The authoritative reference and input builder live on the scoring server;
editing this copy changes nothing except your own understanding.
"""

import jax, jax.numpy as jnp
import numpy as np

# Cordero-2008 covalent radii (Angstrom), indexed by atomic number (0 = dummy), length 100
COVALENT_RADII = np.array([
    0.20, 0.31, 0.28, 1.28, 0.96, 0.84, 0.76, 0.71, 0.66, 0.57,
    0.58, 1.66, 1.41, 1.21, 1.11, 1.07, 1.05, 1.02, 1.06, 2.03,
    1.76, 1.70, 1.60, 1.53, 1.39, 1.39, 1.32, 1.26, 1.24, 1.32,
    1.22, 1.22, 1.20, 1.19, 1.20, 1.20, 1.16, 2.20, 1.95, 1.90,
    1.75, 1.64, 1.54, 1.47, 1.46, 1.42, 1.39, 1.45, 1.44, 1.42,
    1.39, 1.39, 1.38, 1.39, 1.40, 2.44, 2.15, 2.07, 2.04, 2.03,
    2.01, 1.99, 1.98, 1.98, 1.96, 1.94, 1.92, 1.92, 1.89, 1.90,
    1.87, 1.87, 1.75, 1.70, 1.62, 1.51, 1.44, 1.41, 1.36, 1.36,
    1.32, 1.45, 1.46, 1.48, 1.40, 1.50, 1.50, 2.60, 2.21, 2.15,
    2.06, 2.00, 1.96, 1.90, 1.87, 1.80, 1.69, 1.68, 1.68, 1.68,
], dtype=np.float32)

N_NODES = 100000
N_EDGES = 6400000


def setup_inputs(seed: int = 0) -> dict:
    key = jax.random.key(seed)
    k1, k2, k3 = jax.random.split(key, 3)
    z = jax.random.randint(k1, (N_NODES,), 0, 90, dtype=jnp.int32)
    # uniform distances scaled into a realistic interatomic-distance range (Angstrom)
    edge_distance = jax.random.uniform(k2, (N_EDGES,), dtype=jnp.float32) * 6.0
    edge_index = jax.random.randint(k3, (2, N_EDGES), 0, N_NODES, dtype=jnp.int32)
    q = jnp.asarray(3.2139, dtype=jnp.float32)
    p = jnp.asarray(-15.2013, dtype=jnp.float32)
    covalent_radii = jnp.asarray(COVALENT_RADII)
    return {
        "z": z,
        "edge_distance": edge_distance,
        "edge_index": edge_index,
        "q": q,
        "p": p,
        "covalent_radii": covalent_radii,
    }


def reference(z, edge_distance, edge_index, q, p, covalent_radii):
    sender = edge_index[0]
    receiver = edge_index[1]
    r0 = jnp.take(covalent_radii, jnp.take(z, sender)) + jnp.take(covalent_radii, jnp.take(z, receiver))
    t = edge_distance / r0
    # torch F.softplus(x, beta=0.5) == (1/0.5) * log(1 + exp(0.5 * x))
    pp = 2.0 * jax.nn.softplus(0.5 * p) + 1.0
    qq = 2.0 * jax.nn.softplus(0.5 * q) + 1.0
    a = -2.0 * (pp + qq - 2.0 * qq * pp) / (pp ** 2 + pp + qq ** 2 + qq)
    tq = t ** qq
    w = a * tq / (1.0 + t ** (qq - pp) + a * tq)
    return w

if __name__ == "__main__":
    import jax
    _d = setup_inputs()
    print(jax.jit(kernel)(*tuple(_d.values())))

</pallas_src>

<mosaic_0001>
#map = affine_map<(d0, d1) -> (0, 0)>
#map1 = affine_map<(d0, d1) -> (0)>
module attributes {stable_mosaic.version = 14 : i64} {
  func.func @body(%arg0: i32, %arg1: i32, %arg2: memref<2x6400000xi32, #tpu.memory_space<hbm>>, %arg3: memref<100000xi32, #tpu.memory_space<hbm>>, %arg4: memref<128xf32, #tpu.memory_space<hbm>>, %arg5: memref<6400000xf32, #tpu.memory_space<hbm>>, %arg6: memref<100000xi32, #tpu.memory_space<vmem>>, %arg7: memref<128xf32, #tpu.memory_space<vmem>>, %arg8: memref<2x5120xi32, #tpu.memory_space<vmem>>, %arg9: memref<2x5120xi32, #tpu.memory_space<vmem>>, %arg10: memref<5120xf32, #tpu.memory_space<vmem>>, %arg11: memref<5120xf32, #tpu.memory_space<vmem>>, %arg12: memref<!tpu.dma_semaphore, #tpu.memory_space<semaphore_mem>>, %arg13: memref<!tpu.dma_semaphore, #tpu.memory_space<semaphore_mem>>, %arg14: memref<!tpu.dma_semaphore, #tpu.memory_space<semaphore_mem>>, %arg15: memref<!tpu.dma_semaphore, #tpu.memory_space<semaphore_mem>>, %arg16: memref<!tpu.dma_semaphore, #tpu.memory_space<semaphore_mem>>) attributes {dimension_semantics = [#tpu.dimension_semantics<core_parallel>, #tpu.dimension_semantics<subcore_parallel>], iteration_bounds = array<i64: 2, 16>, scalar_prefetch = 0 : i64, scratch_operands = 11 : i64, tpu.core_type = #tpu.core_type<sc_vector_subcore>, window_params = [{transform_indices = #map}, {transform_indices = #map1}, {transform_indices = #map1}, {transform_indices = #map1}]} {
    %mul3A = arith.constant 2 : i32
    %mul3A_0 = arith.muli %arg1, %mul3A : i32
    %add3A = arith.addi %mul3A_0, %arg0 : i32
    "tpu.region"() ({
      %run_scoped3A = tpu.sem_alloc : memref<!tpu.dma_semaphore, #tpu.memory_space<semaphore_mem>>
      tpu.enqueue_dma source(%arg4 : memref<128xf32, #tpu.memory_space<hbm>>) target(%arg7 : memref<128xf32, #tpu.memory_space<vmem>>) target_semaphore(%run_scoped3A : memref<!tpu.dma_semaphore, #tpu.memory_space<semaphore_mem>>)
      tpu.wait_dma2 semaphore(%run_scoped3A : memref<!tpu.dma_semaphore, #tpu.memory_space<semaphore_mem>>) src(%arg4 : memref<128xf32, #tpu.memory_space<hbm>>) dst(%arg7 : memref<128xf32, #tpu.memory_space<vmem>>)
      tpu.yield
    }) : () -> ()
    tpu.enqueue_dma source(%arg3 : memref<100000xi32, #tpu.memory_space<hbm>>) target(%arg6 : memref<100000xi32, #tpu.memory_space<vmem>>) target_semaphore(%arg12 : memref<!tpu.dma_semaphore, #tpu.memory_space<semaphore_mem>>)
    %mul3A_1 = arith.constant 5120 : i32
    %mul3A_2 = arith.muli %add3A, %mul3A_1 : i32
    %dma_start3A = arith.constant 0 : i32
    %dma_start3A_3 = tpu.memref_slice %arg2[%dma_start3A, %mul3A_2] : memref<2x6400000xi32, #tpu.memory_space<hbm>> -> memref<2x5120xi32, #tpu.memory_space<hbm>>
    %dma_start3A_4 = arith.constant 0 : i32
    %dma_start3A_5 = tpu.memref_slice %arg2[%dma_start3A_4, %mul3A_2] : memref<2x6400000xi32, #tpu.memory_space<hbm>> -> memref<2x5120xi32, #tpu.memory_space<hbm>>
    tpu.enqueue_dma source(%dma_start3A_5 : memref<2x5120xi32, #tpu.memory_space<hbm>>) target(%arg8 : memref<2x5120xi32, #tpu.memory_space<vmem>>) target_semaphore(%arg13 : memref<!tpu.dma_semaphore, #tpu.memory_space<semaphore_mem>>)
    %add3A_6 = arith.constant 32 : i32
    %add3A_7 = arith.addi %add3A, %add3A_6 : i32
    %mul3A_8 = arith.constant 5120 : i32
    %mul3A_9 = arith.muli %add3A_7, %mul3A_8 : i32
    %dma_start3A_10 = arith.constant 0 : i32
    %dma_start3A_11 = tpu.memref_slice %arg2[%dma_start3A_10, %mul3A_9] : memref<2x6400000xi32, #tpu.memory_space<hbm>> -> memref<2x5120xi32, #tpu.memory_space<hbm>>
    %dma_start3A_12 = arith.constant 0 : i32
    %dma_start3A_13 = tpu.memref_slice %arg2[%dma_start3A_12, %mul3A_9] : memref<2x6400000xi32, #tpu.memory_space<hbm>> -> memref<2x5120xi32, #tpu.memory_space<hbm>>
    tpu.enqueue_dma source(%dma_start3A_13 : memref<2x5120xi32, #tpu.memory_space<hbm>>) target(%arg9 : memref<2x5120xi32, #tpu.memory_space<vmem>>) target_semaphore(%arg14 : memref<!tpu.dma_semaphore, #tpu.memory_space<semaphore_mem>>)
    tpu.wait_dma2 semaphore(%arg12 : memref<!tpu.dma_semaphore, #tpu.memory_space<semaphore_mem>>) src(%arg3 : memref<100000xi32, #tpu.memory_space<hbm>>) dst(%arg6 : memref<100000xi32, #tpu.memory_space<vmem>>)
    %parallel_loop3A = arith.constant 0 : i32
    %parallel_loop3A_14 = arith.constant 100000 : i32
    %parallel_loop3A_15 = arith.constant 16 : i32
    scf.for %parallel_loop3A_27 = %parallel_loop3A to %parallel_loop3A_14 step %parallel_loop3A_15  : i32 {
      %parallel_loop3A_28 = arith.index_cast %parallel_loop3A_27 : i32 to index
      %parallel_loop3A_29 = tpu.vector_load %arg6[%parallel_loop3A_28] {strides = array<i32>} : memref<100000xi32, #tpu.memory_space<vmem>>, vector<16xi32>,
      %parallel_loop3A_30 = tpu.vector_load_idx %arg7[%parallel_loop3A_29] : memref<128xf32, #tpu.memory_space<vmem>>[vector<16xi32>], vector<16xf32>,
      %parallel_loop3A_31 = vector.bitcast %parallel_loop3A_30 : vector<16xf32> to vector<16xi32>
      %parallel_loop3A_32 = arith.index_cast %parallel_loop3A_27 : i32 to index
      %parallel_loop3A_33 = tpu.vector_load %arg6[%parallel_loop3A_32] {strides = array<i32>} : memref<100000xi32, #tpu.memory_space<vmem>>, vector<16xi32>,
      tpu.vector_store %arg6[%parallel_loop3A_32], %parallel_loop3A_31 {strides = array<i32>} : memref<100000xi32, #tpu.memory_space<vmem>>, vector<16xi32>,
    } {sc.loop_unroll_factor = 8 : i64, sc.parallel_access}
    %barrier3A = arith.constant 0 : index
    tpu.barrier barrier_id(%barrier3A)
    %scan3A = arith.constant 0 : i32
    %scan3A_16 = arith.constant 20 : i32
    %scan3A_17 = arith.addi %scan3A, %scan3A_16 : i32
    %scan3A_18 = arith.constant 1 : i32
    scf.for %scan3A_27 = %scan3A to %scan3A_17 step %scan3A_18  : i32 {
      %mul3A_28 = arith.constant 2 : i32
      %mul3A_29 = arith.muli %scan3A_27, %mul3A_28 : i32
      %add3A_30 = arith.constant 0 : i32
      %add3A_31 = arith.addi %add3A_30, %mul3A_29 : i32
      %add3A_32 = arith.constant 0 : i32
      %add3A_33 = arith.addi %add3A_31, %add3A_32 : i32
      %mul3A_34 = arith.constant 32 : i32
      %mul3A_35 = arith.muli %add3A_33, %mul3A_34 : i32
      %add3A_36 = arith.addi %mul3A_35, %add3A : i32
      %lt3A = arith.constant 1250 : i32
      %lt3A_37 = arith.cmpi slt, %add3A_36, %lt3A : i32
      %convert_element_type3A = arith.extui %lt3A_37 : i1 to i32
      %cond3A = arith.constant 0 : i32
      %cond3A_38 = arith.cmpi ne, %convert_element_type3A, %cond3A : i32
      scf.if %cond3A_38 {
        %add3A_49 = arith.constant 0 : i32
        %add3A_50 = arith.addi %add3A_31, %add3A_49 : i32
        %ge3A = arith.constant 2 : i32
        %ge3A_51 = arith.cmpi sge, %add3A_50, %ge3A : i32
        %convert_element_type3A_52 = arith.extui %ge3A_51 : i1 to i32
        %cond3A_53 = arith.constant 0 : i32
        %cond3A_54 = arith.cmpi ne, %convert_element_type3A_52, %cond3A_53 : i32
        scf.if %cond3A_54 {
          %dma_wait3A_75 = arith.constant 0 : i32
          %dma_wait3A_76 = tpu.memref_slice %arg5[%dma_wait3A_75] : memref<6400000xf32, #tpu.memory_space<hbm>> -> memref<5120xf32, #tpu.memory_space<hbm>>
          %dma_wait3A_77 = arith.constant 0 : i32
          %dma_wait3A_78 = tpu.memref_slice %arg5[%dma_wait3A_77] : memref<6400000xf32, #tpu.memory_space<hbm>> -> memref<5120xf32, #tpu.memory_space<hbm>>
          tpu.wait_dma2 semaphore(%arg15 : memref<!tpu.dma_semaphore, #tpu.memory_space<semaphore_mem>>) src(%arg10 : memref<5120xf32, #tpu.memory_space<vmem>>) dst(%dma_wait3A_78 : memref<5120xf32, #tpu.memory_space<hbm>>)
        } else {
        }
        %dma_wait3A_55 = arith.constant 0 : i32
        %dma_wait3A_56 = arith.constant 0 : i32
        %dma_wait3A_57 = tpu.memref_slice %arg2[%dma_wait3A_55, %dma_wait3A_56] : memref<2x6400000xi32, #tpu.memory_space<hbm>> -> memref<2x5120xi32, #tpu.memory_space<hbm>>
        %dma_wait3A_58 = arith.constant 0 : i32
        %dma_wait3A_59 = arith.constant 0 : i32
        %dma_wait3A_60 = tpu.memref_slice %arg2[%dma_wait3A_58, %dma_wait3A_59] : memref<2x6400000xi32, #tpu.memory_space<hbm>> -> memref<2x5120xi32, #tpu.memory_space<hbm>>
        tpu.wait_dma2 semaphore(%arg13 : memref<!tpu.dma_semaphore, #tpu.memory_space<semaphore_mem>>) src(%dma_wait3A_60 : memref<2x5120xi32, #tpu.memory_space<hbm>>) dst(%arg8 : memref<2x5120xi32, #tpu.memory_space<vmem>>)
        %parallel_loop3A_61 = arith.constant 0 : i32
        %parallel_loop3A_62 = arith.constant 5120 : i32
        %parallel_loop3A_63 = arith.constant 16 : i32
        scf.for %parallel_loop3A_75 = %parallel_loop3A_61 to %parallel_loop3A_62 step %parallel_loop3A_63  : i32 {
          %parallel_loop3A_76 = arith.constant 0 : i32
          %parallel_loop3A_77 = arith.index_cast %parallel_loop3A_76 : i32 to index
          %parallel_loop3A_78 = arith.index_cast %parallel_loop3A_75 : i32 to index
          %parallel_loop3A_79 = tpu.vector_load %arg8[%parallel_loop3A_77, %parallel_loop3A_78] {strides = array<i32>} : memref<2x5120xi32, #tpu.memory_space<vmem>>, vector<16xi32>,
          %parallel_loop3A_80 = arith.constant 1 : i32
          %parallel_loop3A_81 = arith.index_cast %parallel_loop3A_80 : i32 to index
          %parallel_loop3A_82 = arith.index_cast %parallel_loop3A_75 : i32 to index
          %parallel_loop3A_83 = tpu.vector_load %arg8[%parallel_loop3A_81, %parallel_loop3A_82] {strides = array<i32>} : memref<2x5120xi32, #tpu.memory_space<vmem>>, vector<16xi32>,
          %parallel_loop3A_84 = tpu.vector_load_idx %arg6[%parallel_loop3A_79] : memref<100000xi32, #tpu.memory_space<vmem>>[vector<16xi32>], vector<16xi32>,
          %parallel_loop3A_85 = vector.bitcast %parallel_loop3A_84 : vector<16xi32> to vector<16xf32>
          %parallel_loop3A_86 = tpu.vector_load_idx %arg6[%parallel_loop3A_83] : memref<100000xi32, #tpu.memory_space<vmem>>[vector<16xi32>], vector<16xi32>,
          %parallel_loop3A_87 = vector.bitcast %parallel_loop3A_86 : vector<16xi32> to vector<16xf32>
          %parallel_loop3A_88 = arith.addf %parallel_loop3A_85, %parallel_loop3A_87 : vector<16xf32>
          %parallel_loop3A_89 = arith.index_cast %parallel_loop3A_75 : i32 to index
          %parallel_loop3A_90 = tpu.vector_load %arg10[%parallel_loop3A_89] {strides = array<i32>} : memref<5120xf32, #tpu.memory_space<vmem>>, vector<16xf32>,
          tpu.vector_store %arg10[%parallel_loop3A_89], %parallel_loop3A_88 {strides = array<i32>} : memref<5120xf32, #tpu.memory_space<vmem>>, vector<16xf32>,
        } {sc.loop_unroll_factor = 8 : i64, sc.parallel_access}
        %mul3A_64 = arith.constant 5120 : i32
        %mul3A_65 = arith.muli %add3A_36, %mul3A_64 : i32
        %dma_start3A_66 = tpu.memref_slice %arg5[%mul3A_65] : memref<6400000xf32, #tpu.memory_space<hbm>> -> memref<5120xf32, #tpu.memory_space<hbm>>
        %dma_start3A_67 = tpu.memref_slice %arg5[%mul3A_65] : memref<6400000xf32, #tpu.memory_space<hbm>> -> memref<5120xf32, #tpu.memory_space<hbm>>
        tpu.enqueue_dma source(%arg10 : memref<5120xf32, #tpu.memory_space<vmem>>) target(%dma_start3A_67 : memref<5120xf32, #tpu.memory_space<hbm>>) target_semaphore(%arg15 : memref<!tpu.dma_semaphore, #tpu.memory_space<semaphore_mem>>)
        %add3A_68 = arith.constant 64 : i32
        %add3A_69 = arith.addi %add3A_36, %add3A_68 : i32
        %lt3A_70 = arith.constant 1250 : i32
        %lt3A_71 = arith.cmpi slt, %add3A_69, %lt3A_70 : i32
        %convert_element_type3A_72 = arith.extui %lt3A_71 : i1 to i32
        %cond3A_73 = arith.constant 0 : i32
        %cond3A_74 = arith.cmpi ne, %convert_element_type3A_72, %cond3A_73 : i32
        scf.if %cond3A_74 {
          %mul3A_75 = arith.constant 5120 : i32
          %mul3A_76 = arith.muli %add3A_69, %mul3A_75 : i32
          %dma_start3A_77 = arith.constant 0 : i32
          %dma_start3A_78 = tpu.memref_slice %arg2[%dma_start3A_77, %mul3A_76] : memref<2x6400000xi32, #tpu.memory_space<hbm>> -> memref<2x5120xi32, #tpu.memory_space<hbm>>
          %dma_start3A_79 = arith.constant 0 : i32
          %dma_start3A_80 = tpu.memref_slice %arg2[%dma_start3A_79, %mul3A_76] : memref<2x6400000xi32, #tpu.memory_space<hbm>> -> memref<2x5120xi32, #tpu.memory_space<hbm>>
          tpu.enqueue_dma source(%dma_start3A_80 : memref<2x5120xi32, #tpu.memory_space<hbm>>) target(%arg8 : memref<2x5120xi32, #tpu.memory_space<vmem>>) target_semaphore(%arg13 : memref<!tpu.dma_semaphore, #tpu.memory_space<semaphore_mem>>)
        } else {
        }
      } else {
      }
      %add3A_39 = arith.constant 1 : i32
      %add3A_40 = arith.addi %add3A_31, %add3A_39 : i32
      %mul3A_41 = arith.constant 32 : i32
      %mul3A_42 = arith.muli %add3A_40, %mul3A_41 : i32
      %add3A_43 = arith.addi %mul3A_42, %add3A : i32
      %lt3A_44 = arith.constant 1250 : i32
      %lt3A_45 = arith.cmpi slt, %add3A_43, %lt3A_44 : i32
      %convert_element_type3A_46 = arith.extui %lt3A_45 : i1 to i32
      %cond3A_47 = arith.constant 0 : i32
      %cond3A_48 = arith.cmpi ne, %convert_element_type3A_46, %cond3A_47 : i32
      scf.if %cond3A_48 {
        %add3A_49 = arith.constant 1 : i32
        %add3A_50 = arith.addi %add3A_31, %add3A_49 : i32
        %ge3A = arith.constant 2 : i32
        %ge3A_51 = arith.cmpi sge, %add3A_50, %ge3A : i32
        %convert_element_type3A_52 = arith.extui %ge3A_51 : i1 to i32
        %cond3A_53 = arith.constant 0 : i32
        %cond3A_54 = arith.cmpi ne, %convert_element_type3A_52, %cond3A_53 : i32
        scf.if %cond3A_54 {
          %dma_wait3A_75 = arith.constant 0 : i32
          %dma_wait3A_76 = tpu.memref_slice %arg5[%dma_wait3A_75] : memref<6400000xf32, #tpu.memory_space<hbm>> -> memref<5120xf32, #tpu.memory_space<hbm>>
          %dma_wait3A_77 = arith.constant 0 : i32
          %dma_wait3A_78 = tpu.memref_slice %arg5[%dma_wait3A_77] : memref<6400000xf32, #tpu.memory_space<hbm>> -> memref<5120xf32, #tpu.memory_space<hbm>>
          tpu.wait_dma2 semaphore(%arg16 : memref<!tpu.dma_semaphore, #tpu.memory_space<semaphore_mem>>) src(%arg11 : memref<5120xf32, #tpu.memory_space<vmem>>) dst(%dma_wait3A_78 : memref<5120xf32, #tpu.memory_space<hbm>>)
        } else {
        }
        %dma_wait3A_55 = arith.constant 0 : i32
        %dma_wait3A_56 = arith.constant 0 : i32
        %dma_wait3A_57 = tpu.memref_slice %arg2[%dma_wait3A_55, %dma_wait3A_56] : memref<2x6400000xi32, #tpu.memory_space<hbm>> -> memref<2x5120xi32, #tpu.memory_space<hbm>>
        %dma_wait3A_58 = arith.constant 0 : i32
        %dma_wait3A_59 = arith.constant 0 : i32
        %dma_wait3A_60 = tpu.memref_slice %arg2[%dma_wait3A_58, %dma_wait3A_59] : memref<2x6400000xi32, #tpu.memory_space<hbm>> -> memref<2x5120xi32, #tpu.memory_space<hbm>>
        tpu.wait_dma2 semaphore(%arg14 : memref<!tpu.dma_semaphore, #tpu.memory_space<semaphore_mem>>) src(%dma_wait3A_60 : memref<2x5120xi32, #tpu.memory_space<hbm>>) dst(%arg9 : memref<2x5120xi32, #tpu.memory_space<vmem>>)
        %parallel_loop3A_61 = arith.constant 0 : i32
        %parallel_loop3A_62 = arith.constant 5120 : i32
        %parallel_loop3A_63 = arith.constant 16 : i32
        scf.for %parallel_loop3A_75 = %parallel_loop3A_61 to %parallel_loop3A_62 step %parallel_loop3A_63  : i32 {
          %parallel_loop3A_76 = arith.constant 0 : i32
          %parallel_loop3A_77 = arith.index_cast %parallel_loop3A_76 : i32 to index
          %parallel_loop3A_78 = arith.index_cast %parallel_loop3A_75 : i32 to index
          %parallel_loop3A_79 = tpu.vector_load %arg9[%parallel_loop3A_77, %parallel_loop3A_78] {strides = array<i32>} : memref<2x5120xi32, #tpu.memory_space<vmem>>, vector<16xi32>,
          %parallel_loop3A_80 = arith.constant 1 : i32
          %parallel_loop3A_81 = arith.index_cast %parallel_loop3A_80 : i32 to index
          %parallel_loop3A_82 = arith.index_cast %parallel_loop3A_75 : i32 to index
          %parallel_loop3A_83 = tpu.vector_load %arg9[%parallel_loop3A_81, %parallel_loop3A_82] {strides = array<i32>} : memref<2x5120xi32, #tpu.memory_space<vmem>>, vector<16xi32>,
          %parallel_loop3A_84 = tpu.vector_load_idx %arg6[%parallel_loop3A_79] : memref<100000xi32, #tpu.memory_space<vmem>>[vector<16xi32>], vector<16xi32>,
          %parallel_loop3A_85 = vector.bitcast %parallel_loop3A_84 : vector<16xi32> to vector<16xf32>
          %parallel_loop3A_86 = tpu.vector_load_idx %arg6[%parallel_loop3A_83] : memref<100000xi32, #tpu.memory_space<vmem>>[vector<16xi32>], vector<16xi32>,
          %parallel_loop3A_87 = vector.bitcast %parallel_loop3A_86 : vector<16xi32> to vector<16xf32>
          %parallel_loop3A_88 = arith.addf %parallel_loop3A_85, %parallel_loop3A_87 : vector<16xf32>
          %parallel_loop3A_89 = arith.index_cast %parallel_loop3A_75 : i32 to index
          %parallel_loop3A_90 = tpu.vector_load %arg11[%parallel_loop3A_89] {strides = array<i32>} : memref<5120xf32, #tpu.memory_space<vmem>>, vector<16xf32>,
          tpu.vector_store %arg11[%parallel_loop3A_89], %parallel_loop3A_88 {strides = array<i32>} : memref<5120xf32, #tpu.memory_space<vmem>>, vector<16xf32>,
        } {sc.loop_unroll_factor = 8 : i64, sc.parallel_access}
        %mul3A_64 = arith.constant 5120 : i32
        %mul3A_65 = arith.muli %add3A_43, %mul3A_64 : i32
        %dma_start3A_66 = tpu.memref_slice %arg5[%mul3A_65] : memref<6400000xf32, #tpu.memory_space<hbm>> -> memref<5120xf32, #tpu.memory_space<hbm>>
        %dma_start3A_67 = tpu.memref_slice %arg5[%mul3A_65] : memref<6400000xf32, #tpu.memory_space<hbm>> -> memref<5120xf32, #tpu.memory_space<hbm>>
        tpu.enqueue_dma source(%arg11 : memref<5120xf32, #tpu.memory_space<vmem>>) target(%dma_start3A_67 : memref<5120xf32, #tpu.memory_space<hbm>>) target_semaphore(%arg16 : memref<!tpu.dma_semaphore, #tpu.memory_space<semaphore_mem>>)
        %add3A_68 = arith.constant 64 : i32
        %add3A_69 = arith.addi %add3A_43, %add3A_68 : i32
        %lt3A_70 = arith.constant 1250 : i32
        %lt3A_71 = arith.cmpi slt, %add3A_69, %lt3A_70 : i32
        %convert_element_type3A_72 = arith.extui %lt3A_71 : i1 to i32
        %cond3A_73 = arith.constant 0 : i32
        %cond3A_74 = arith.cmpi ne, %convert_element_type3A_72, %cond3A_73 : i32
        scf.if %cond3A_74 {
          %mul3A_75 = arith.constant 5120 : i32
          %mul3A_76 = arith.muli %add3A_69, %mul3A_75 : i32
          %dma_start3A_77 = arith.constant 0 : i32
          %dma_start3A_78 = tpu.memref_slice %arg2[%dma_start3A_77, %mul3A_76] : memref<2x6400000xi32, #tpu.memory_space<hbm>> -> memref<2x5120xi32, #tpu.memory_space<hbm>>
          %dma_start3A_79 = arith.constant 0 : i32
          %dma_start3A_80 = tpu.memref_slice %arg2[%dma_start3A_79, %mul3A_76] : memref<2x6400000xi32, #tpu.memory_space<hbm>> -> memref<2x5120xi32, #tpu.memory_space<hbm>>
          tpu.enqueue_dma source(%dma_start3A_80 : memref<2x5120xi32, #tpu.memory_space<hbm>>) target(%arg9 : memref<2x5120xi32, #tpu.memory_space<vmem>>) target_semaphore(%arg14 : memref<!tpu.dma_semaphore, #tpu.memory_space<semaphore_mem>>)
        } else {
        }
      } else {
      }
    }
    %scan3A_19 = arith.constant 20 : i32
    %dma_wait3A = arith.constant 0 : i32
    %dma_wait3A_20 = tpu.memref_slice %arg5[%dma_wait3A] : memref<6400000xf32, #tpu.memory_space<hbm>> -> memref<5120xf32, #tpu.memory_space<hbm>>
    %dma_wait3A_21 = arith.constant 0 : i32
    %dma_wait3A_22 = tpu.memref_slice %arg5[%dma_wait3A_21] : memref<6400000xf32, #tpu.memory_space<hbm>> -> memref<5120xf32, #tpu.memory_space<hbm>>
    tpu.wait_dma2 semaphore(%arg15 : memref<!tpu.dma_semaphore, #tpu.memory_space<semaphore_mem>>) src(%arg10 : memref<5120xf32, #tpu.memory_space<vmem>>) dst(%dma_wait3A_22 : memref<5120xf32, #tpu.memory_space<hbm>>)
    %dma_wait3A_23 = arith.constant 0 : i32
    %dma_wait3A_24 = tpu.memref_slice %arg5[%dma_wait3A_23] : memref<6400000xf32, #tpu.memory_space<hbm>> -> memref<5120xf32, #tpu.memory_space<hbm>>
    %dma_wait3A_25 = arith.constant 0 : i32
    %dma_wait3A_26 = tpu.memref_slice %arg5[%dma_wait3A_25] : memref<6400000xf32, #tpu.memory_space<hbm>> -> memref<5120xf32, #tpu.memory_space<hbm>>
    tpu.wait_dma2 semaphore(%arg16 : memref<!tpu.dma_semaphore, #tpu.memory_space<semaphore_mem>>) src(%arg11 : memref<5120xf32, #tpu.memory_space<vmem>>) dst(%dma_wait3A_26 : memref<5120xf32, #tpu.memory_space<hbm>>)
    return
  }
}

module attributes {stable_mosaic.version = 14 : i64} {
  func.func @_tc_w_body(%arg0: i32, %arg1: memref<3xf32, #tpu.memory_space<smem>>, %arg2: memref<256000xf32, #tpu.memory_space<vmem>>, %arg3: memref<256000xf32, #tpu.memory_space<vmem>>, %arg4: memref<256000xf32, #tpu.memory_space<vmem>>) attributes {dimension_semantics = [#tpu.dimension_semantics<arbitrary>], iteration_bounds = array<i64: 25>, scalar_prefetch = 0 : i64, scratch_operands = 0 : i64, tpu.core_type = #tpu.core_type<tc>, window_params = [{transform_indices = @transform_0, window_bounds = array<i64: 3>}, {transform_indices = @transform_1, window_bounds = array<i64: 256000>}, {transform_indices = @transform_2, window_bounds = array<i64: 256000>}, {transform_indices = @transform_3, window_bounds = array<i64: 256000>}]} {
    %get3A = arith.constant 0 : index
    %get3A_0 = vector.load %arg2[%get3A] : memref<256000xf32, #tpu.memory_space<vmem>>, vector<256000xf32>
    %get3A_1 = arith.constant 0 : index
    %get3A_2 = vector.load %arg3[%get3A_1] : memref<256000xf32, #tpu.memory_space<vmem>>, vector<256000xf32>
    %div3A = arith.divf %get3A_0, %get3A_2 : vector<256000xf32>
    %log3A = math.log %div3A : vector<256000xf32>
    %get3A_3 = arith.constant 1 : index
    %get3A_4 = memref.load %arg1[%get3A_3] : memref<3xf32, #tpu.memory_space<smem>>
    %mul3A = vector.broadcast %get3A_4 : f32 to vector<256000xf32>
    %mul3A_5 = arith.mulf %mul3A, %log3A : vector<256000xf32>
    %exp3A = math.exp %mul3A_5 : vector<256000xf32>
    %get3A_6 = arith.constant 2 : index
    %get3A_7 = memref.load %arg1[%get3A_6] : memref<3xf32, #tpu.memory_space<smem>>
    %mul3A_8 = vector.broadcast %get3A_7 : f32 to vector<256000xf32>
    %mul3A_9 = arith.mulf %mul3A_8, %log3A : vector<256000xf32>
    %exp3A_10 = math.exp %mul3A_9 : vector<256000xf32>
    %get3A_11 = arith.constant 0 : index
    %get3A_12 = memref.load %arg1[%get3A_11] : memref<3xf32, #tpu.memory_space<smem>>
    %mul3A_13 = vector.broadcast %get3A_12 : f32 to vector<256000xf32>
    %mul3A_14 = arith.mulf %mul3A_13, %exp3A : vector<256000xf32>
    %add3A = arith.constant 1.000000e+00 : f32
    %add3A_15 = vector.broadcast %add3A : f32 to vector<256000xf32>
    %add3A_16 = arith.addf %add3A_15, %exp3A_10 : vector<256000xf32>
    %add3A_17 = arith.addf %add3A_16, %mul3A_14 : vector<256000xf32>
    %div3A_18 = arith.divf %mul3A_14, %add3A_17 : vector<256000xf32>
    %swap3A = arith.constant 0 : index
    %swap3A_19 = vector.load %arg4[%swap3A] : memref<256000xf32, #tpu.memory_space<vmem>>, vector<256000xf32>
    tpu.vector_store %arg4[%swap3A], %div3A_18 {strides = array<i32>} : memref<256000xf32, #tpu.memory_space<vmem>>, vector<256000xf32>,
    return
  }
  func.func @transform_0(%arg0: i32) -> i32 {
    %c0_i32 = arith.constant 0 : i32
    %c0_i32_0 = arith.constant 0 : i32
    return %c0_i32 : i32
  }
  func.func @transform_1(%arg0: i32) -> i32 {
    %c0_i32 = arith.constant 0 : i32
    return %arg0 : i32
  }
  func.func @transform_2(%arg0: i32) -> i32 {
    %c0_i32 = arith.constant 0 : i32
    return %arg0 : i32
  }
  func.func @transform_3(%arg0: i32) -> i32 {
    %c0_i32 = arith.constant 0 : i32
    return %arg0 : i32
  }
}

</mosaic_0001>

<sc_bundles>
// kernel: kernel.4.cloned.1.call-start
scs
__scs_entry_jumppad:
0x0: {  	(pc) =	sbr.rel $0x88, $3  }
0x1: {  	(tag) =	ssettag $0x0;
	lr =	simm.s32 $0x1  }
0x2: {  	[smem:$0x3F9B] =	sst lr;
	_ =	strace $0xD0000000  }
0x3: {  	_ = 	snop  }
0x4: {  	_ = 	snop  }
0x5: {  	_ = 	snop  }
0x6: {  	_ = 	snop  }
0x7: {  	_ = 	snop  }
__scs_overlays_trampoline_lowered:
0x8: {  	[smem:$0x3FAA] =	sst s0  }
0x9: {  	[smem:$0x3FAB] =	sst s1  }
0xa: {  	[smem:$0x3FAC] =	sst s2  }
0xb: {  	[smem:$0x3FAD] =	sst s3  }
0xc: {  	[smem:$0x3FAE] =	sst s4  }
0xd: {  	[smem:$0x3FAF] =	sst s5  }
0xe: {  	[smem:$0x3FB0] =	sst s6  }
0xf: {  	[smem:$0x3FB1] =	sst s7  }
0x10: {  	[smem:$0x3FB2] =	sst s8  }
0x11: {  	[smem:$0x3FB3] =	sst s9;
	s0 =	simm.s32 @!p0 $0x0  }
0x12: {  	s1 =	sld [smem:$0x3F99];
	s0 =	simm.s32 @p0 $0x1  }
0x13: {  	[smem:$0x3FB4] =	sst s0;
	s0 =	simm.s32 @!p1 $0x0  }
0x14: {  	s2 =	sld [smem:$0x3F98];
	s0 =	simm.s32 @p1 $0x1  }
0x15: {  	[smem:$0x3FB5] =	sst s0;
	s0 =	simm.s32 @!p2 $0x0  }
0x16: {  	s3 =	sld [smem:$0x3FDB];
	s0 =	simm.s32 @p2 $0x1  }
0x17: {  	s4 =	simm.s32 $0x1BF5;
	[smem:$0x3FB7] =	sst s0  }
0x18: {  	s0 =	sld [smem:$0x3F9A];
	_ =	swait.ge [sflag:s4], $0x0  }
0x19: {  	s7 =	sld [smem:$0x3F9B]  }
0x1a: {  	s8 =	sadd.s32 $0xFFFFE003, lr  }
0x1b: {  	s9 =	sadd.s32 $0xFFFFFEF7, lr;
	s5 =	simm.s32 $0xFFFFFFFF;
	p2 =	slt.u32 s8, $0xFFFFF086  }
0x1c: {  	p1 =	slt.u32 s9, $0xF7A;
	s5 =	simm.s32 @!p2 $0x0  }
0x1d: {  	s5 =	simm.s32 @p1 $0x1;
	p0 =	seq.s32 s7, s2  }
0x1e: {  	s7 =	smul.u32 @!p0 $0xF7A, s2;
	p2 =	seq.s32 @!p0 s5, $0x0  }
0x1f: {  	s9 =	smul.u32 $0xF7A, s1;
	s8 =	simm.s32 @!p0 $0x1BF5;
	p2 =	por !p2, p0  }
0x20: {  	[sflag:s8] =	ssyncset.s32 @!p0 $0xFFFFF086;
	s6 =	sadd.s32 @!p0 s3, s7;
	s7 =	simm.s32 @!p0 $0x108  }
0x21: {  	s3 =	sadd.s32 s3, s9;
	s6 =	sadd.s32 @!p0 $0x88, s6;
	s7 =	simm.s32 @p2 $0x1082  }
0x22: {  	[simem:s7], [sflag:s8] =	dma.local @!p0 [hbm:s6], $0xF7A  }
0x23: {  	s9 =	sor.u32 $0xD0000000, s2;
	s6 =	simm.s32 $0x108;
	_ =	swait.ge @!p0 [sflag:s8], $0x0  }
0x24: {  	s3 =	sadd.s32 $0x88, s3;
	s6 =	simm.s32 @!p1 $0x1082;
	[sflag:s4] =	ssyncset.s32 $0xFFFFF086  }
0x25: {  	[simem:s6], [sflag:s4] =	dma.local [hbm:s3], $0xF7A  }
0x26: {  	[smem:$0x3F9B] =	sst s1;
	(tag) =	ssettag s2;
	_ =	strace s9  }
0x27: {  	s1 =	sld [smem:$0x3FAB]  }
0x28: {  	s2 =	sld [smem:$0x3FAC]  }
0x29: {  	s4 =	sld [smem:$0x3FAE]  }
0x2a: {  	p0 =	seq.s32 s5, $0x0;
	s5 =	sld [smem:$0x3FAF]  }
0x2b: {  	s6 =	sld [smem:$0x3FB0]  }
0x2c: {  	s7 =	sld [smem:$0x3FB1]  }
0x2d: {  	s3 =	simm.s32 $0x108;
	s8 =	sld [smem:$0x3FB2]  }
0x2e: {  	s3 =	simm.s32 @!p0 $0x1082;
	s9 =	sld [smem:$0x3FB3]  }
0x2f: {  	lr =	sadd.s32 s0, s3;
	s0 =	sld [smem:$0x3FAA]  }
0x30: {  	s3 =	sld [smem:$0x3FAD]  }
0x31: {  	[smem:$0x3FB6] =	sst s10  }
0x32: {  	s10 =	sld [smem:$0x3FB4];
	_ =	sdelay $0x3  }
0x33: {  	p0 =	seq.s32 s10, $0x1;
	s10 =	sld [smem:$0x3FB6];
	_ =	sdelay $0x3  }
0x34: {  	[smem:$0x3FB6] =	sst s10  }
0x35: {  	s10 =	sld [smem:$0x3FB5];
	_ =	sdelay $0x3  }
0x36: {  	p1 =	seq.s32 s10, $0x1;
	s10 =	sld [smem:$0x3FB6];
	_ =	sdelay $0x3  }
0x37: {  	[smem:$0x3FB6] =	sst s10  }
0x38: {  	s10 =	sld [smem:$0x3FB7]  }
0x39: {  	_ = 	snop;
	(pc) =	sbr.ind lr, $3  }
0x3a: {  	_ = 	snop  }
0x3b: {  	_ = 	snop  }
0x3c: {  	p2 =	seq.s32 s10, $0x1;
	s10 =	sld [smem:$0x3FB6]  }
0x3d: {  	_ =	shalt  }
0x3e: {  	_ =	shalt  }
0x3f: {  	_ =	shalt  }
0x40: {  	_ =	shalt  }
0x41: {  	_ =	shalt  }
0x42: {  	_ =	shalt  }
0x43: {  	_ =	shalt  }
0x44: {  	_ =	shalt  }
0x45: {  	_ =	shalt  }
0x46: {  	_ =	shalt  }
0x47: {  	_ =	shalt  }
0x48: {  	_ =	shalt  }
0x49: {  	_ =	shalt  }
0x4a: {  	_ =	shalt  }
0x4b: {  	_ =	shalt  }
0x4c: {  	_ =	shalt  }
0x4d: {  	_ =	shalt  }
0x4e: {  	_ =	shalt  }
0x4f: {  	_ =	shalt  }
0x50: {  	_ =	shalt  }
0x51: {  	_ =	shalt  }
0x52: {  	_ =	shalt  }
0x53: {  	_ =	shalt  }
0x54: {  	_ =	shalt  }
0x55: {  	_ =	shalt  }
0x56: {  	_ =	shalt  }
0x57: {  	_ =	shalt  }
0x58: {  	_ =	shalt  }
0x59: {  	_ =	shalt  }
0x5a: {  	_ =	shalt  }
0x5b: {  	_ =	shalt  }
0x5c: {  	_ =	shalt  }
0x5d: {  	_ =	shalt  }
0x5e: {  	_ =	shalt  }
0x5f: {  	_ =	shalt  }
0x60: {  	_ =	shalt  }
0x61: {  	_ =	shalt  }
0x62: {  	_ =	shalt  }
0x63: {  	_ =	shalt  }
0x64: {  	_ =	shalt  }
0x65: {  	_ =	shalt  }
0x66: {  	_ =	shalt  }
0x67: {  	_ =	shalt  }
0x68: {  	_ =	shalt  }
0x69: {  	_ =	shalt  }
0x6a: {  	_ =	shalt  }
0x6b: {  	_ =	shalt  }
0x6c: {  	_ =	shalt  }
0x6d: {  	_ =	shalt  }
0x6e: {  	_ =	shalt  }
0x6f: {  	_ =	shalt  }
0x70: {  	_ =	shalt  }
0x71: {  	_ =	shalt  }
0x72: {  	_ =	shalt  }
0x73: {  	_ =	shalt  }
0x74: {  	_ =	shalt  }
0x75: {  	_ =	shalt  }
0x76: {  	_ =	shalt  }
0x77: {  	_ =	shalt  }
0x78: {  	_ =	shalt  }
0x79: {  	_ =	shalt  }
0x7a: {  	_ =	shalt  }
0x7b: {  	_ =	shalt  }
0x7c: {  	_ =	shalt  }
0x7d: {  	_ =	shalt  }
0x7e: {  	_ =	shalt  }
0x7f: {  	_ =	shalt  }
0x80: {  	_ =	shalt  }
0x81: {  	_ =	shalt  }
0x82: {  	_ =	shalt  }
0x83: {  	_ =	shalt  }
0x84: {  	_ =	shalt  }
0x85: {  	_ =	shalt  }
0x86: {  	_ =	shalt  }
0x87: {  	_ =	shalt  }
.Lfunc_end0:
.L_simem_size_0:
called_computation_lowered:
.L_overlay_start_0:
0x88: {  	s2 =	sld [smem:$0x3FD9]  }
0x89: {  	s3 =	sld [smem:$0x3FFE];
	_ =	sdelay $0x1  }
0x8a: {  	s1 =	srdreg.scid  }
0x8b: {  	s0 =	sand.u32 $0x1, s1  }
0x8c: {  	s17 =	sshll.u32 s0, $0xA;
	s2 =	sadd.s32 s3, s2  }
0x8d: {  	s2 =	sadd.s32 s2, s17  }
0x8e: {  	[smem:$0x3FC2] =	sst s2  }
0x8f: {  	_ = 	snop  }
0x90: {  	s2 =	sld [smem:$0x3FC9]  }
0x91: {  	s18 =	sld [smem:$0x3FC7];
	(tm) =	ssettm $0x1  }
0x92: {  	s4 =	sld [smem:$0x3FFB];
	_ =	sdelay $0x3  }
0x93: {  	_ =	strace s4  }
0x94: {  	s4 =	sld [smem:$0x3FFC];
	_ =	sdelay $0x3  }
0x95: {  	_ =	strace s4  }
0x96: {  	s4 =	sld [smem:$0x3FFD];
	_ =	sdelay $0x3  }
0x97: {  	_ =	strace s4  }
0x98: {  	_ =	strace $0x8FFFFFFF  }
0x99: {  	s19 =	sld [smem:$0x3FDB];
	_ =	sdelay $0x1  }
0x9a: {  	s5 =	simm.s32 $_scs_section_size  }
0x9b: {  	s6 =	simm.s32 $_size__tile_overlayer_lowered;
	s7 =	simm.s32 $_tile_overlayer_lowered  }
0x9c: {  	s22 =	simm.s32 $0x1BFF;
	s21 =	sshll.u32 s7, $0x1;
	s4 =	sadd.s32 s5, s19  }
0x9d: {  	s8 =	simm.s32 $0x0;
	s20 =	sshll.u32 s6, $0x1;
	s6 =	sadd.s32 s21, s4  }
0x9e: {  	[timem:s8], [sflag:s22] =	dma.local [hbm:s6], s20  }
0x9f: {  	_ =	swait.ge [sflag:s22], s20  }
0xa0: {  	s5 =	ssub.s32 $0x0, s20;
	[sflag:s22] =	ssyncset.done $0x0  }
0xa1: {  	[sflag:s22] =	ssyncadd.s32 s5;
	_ =	sdelay $0x1  }
0xa2: {  	s23 =	simm.s32 $0x1B8B  }
0xa3: {  	_ =	swait.ge [sflag:s23], $0x1  }
0xa4: {  	[sflag:s23] =	ssyncset.done $0x0  }
0xa5: {  	s25 =	simm.s32 $0x1B8E;
	s24 =	sld [smem:$0x3FFE];
	[sflag:s23] =	ssyncadd.s32 $0xFFFFFFFF  }
0xa6: {  	s26 =	simm.s32 $execute0_lowered;
	[smem:$0x3FD2] =	sst s25  }
0xa7: {  	s6 =	sshll.u32 s26, $0x1;
	_ =	strace $0x80000046;
	[dreg:$0x1] =	wrdreg $0xFFFFFFFF  }
0xa8: {  	s28 =	simm.s32 $_size_execute0_lowered;
	s4 =	sadd.s32 s4, s6;
	[dreg:$0x0] =	wrdreg $0x0  }
0xa9: {  	s6 =	sshll.u32 s28, $0x1;
	[dreg:$0x2] =	wrdreg s4  }
0xaa: {  	[dreg:$0x3] =	wrdreg s6  }
0xab: {  	[dreg:$0x4] =	wrdreg $0xC0  }
0xac: {  	_ =	task [dreg:s8], $0x5FFFF  }
0xad: {  	[dreg:$0x1] =	wrdreg $0xFFFFFFFF  }
0xae: {  	[dreg:$0x0] =	wrdreg $0x60  }
0xaf: {  	[dreg:$0x2] =	wrdreg s18  }
0xb0: {  	[dreg:$0x3] =	wrdreg s2  }
0xb1: {  	[dreg:$0x4] =	wrdreg s24  }
0xb2: {  	[dreg:$0x5] =	wrdreg $0x9  }
0xb3: {  	_ =	task.clear_ibuf [dreg:s8], $0x6FFFF;
	_ =	strace $0x90000046  }
0xb4: {  	s29 =	simm.s32 $0x9;
	_ =	strace $0x80000048  }
0xb5: {  	_ =	swait.ge [sflag:s29], $0x1  }
0xb6: {  	[sflag:s29] =	ssyncadd.s32 $0xFFFFFFFF  }
0xb7: {  	_ =	strace $0x90000048  }
0xb8: {  	_ =	sfence  }
0xb9: {  	s30 =	sld [smem:$0x0];
	_ =	sdelay $0x2  }
0xba: {  	s31 =	sshll.u32 s1, $0xD;
	s1 =	sshrl.u32 s1, $0x2  }
0xbb: {  	s3 =	sand.u32 $0x4000, s31;
	s1 =	sadd.s32 s1, s30  }
0xbc: {  	s0 =	sor.u32 s3, s0;
	s1 =	sshll.u32 s1, $0x11  }
0xbd: {  	s0 =	sor.u32 s1, s0  }
0xbe: {  	s0 =	sadd.s32 $0x8F2B, s0  }
0xbf: {  	[sflag:s0] =	ssyncadd.remote.s32 $0x1  }
0xc0: {  	_ =	sfence.sel $0xFFFF  }
0xc1: {  	[dreg:$0x0] =	wrdreg $0xFFFFFFFF;
	(pc) =	sbr.abs _section_cstart, $3  }
0xc2: {  	[dreg:$0x1] =	wrdreg $0xFFFFFFFF  }
0xc3: {  	_ =	task.clear_ibuf [dreg:s8], $0x2FFFF;
	_ =	strace $0x9FFFFFFF  }
0xc4: {  	(tm) =	ssettm $0x7FFFFFFF  }
0xc5: {  	_ =	shalt  }
tec
execute0_lowered:
.L_overlay_start_1:
0x0: {  	(tag) =	ssettag $0x1  }
0x1: {  	s1 =	rddreg [dreg:$0x0]  }
0x2: {  	s3 =	rddreg [dreg:$0x1]  }
0x3: {  	s2 =	srdreg.scid;
	s0 =	stileid.u32  }
0x4: {  	s7 =	rddreg [dreg:$0x2];
	s4 =	simm.s32 $0x0;
	s12 =	simm.s32 $0x6  }
0x5: {  	s13 =	simm.s32 $0x18780;
	s14 =	simm.s32 $0x1AF80;
	s15 =	simm.s32 $0x1  }
0x6: {  	s16 =	simm.s32 $0x2;
	s17 =	simm.s32 $0x1D780;
	s18 =	simm.s32 $0x3  }
0x7: {  	s19 =	simm.s32 $0x1EB80;
	s8 =	sand.u32 $0x1, s2;
	s5 =	sshll.u32 s0, $0x1  }
0x8: {  	s20 =	simm.s32 $0x4;
	s21 =	simm.s32 $0x5;
	s5 =	sor.u32 s8, s5  }
0x9: {  	s22 =	simm.s32 $0x0;
	s2 =	rddreg [dreg:$0x3];
	s9 =	smul.u32 $0x2800, s5  }
.Ltmp0:
0xa: {  	[smem:$0x7FF] =	sst s4;
	s6 =	sadd.s32 $0x400, s7;
	(pc) =	sbr.rel .LBB2_1-.Ltmp0, $4  }
0xb: {  	s7 =	sadd.s32 $0x600, s7;
	s8 =	ssub.s32 $0x2, s8;
	s11 =	smul.u32 $0x500, s5  }
0xc: {  	_ =	strace $0x80000047;
	s10 =	sshrl.u32 s8, $0x1;
	s9 =	sshrl.u32 s9, $0x3  }
0xd: {  	s10 =	ssub.s32 s8, s10;
	s8 =	sadd.s32 s1, s11;
	s9 =	sadd.s32 s1, s9  }
0xe: {  	s10 =	smax.u32 s10, $0x1;
	s11 =	simm.s32 $0x18700;
	s9 =	sadd.s32 $0xA000, s9  }
.LBB2_13:
0xf: {  	s22 =	sadd.s32 $0x1, s22  }
0x10: {  	_ =	swait.ge [sflag:s20], $0x1400;
	p0 =	sne.s32 s22, s10  }
.Ltmp1:
0x11: {  	[sflag:s20] =	ssyncset.done $0x0;
	(pc) =	sbr.rel @!p0 .LBB2_14-.Ltmp1, $4  }
0x12: {  	[sflag:s20] =	ssyncadd.s32 $0xFFFFEC00  }
0x13: {  	_ =	swait.ge [sflag:s21], $0x1400  }
0x14: {  	[sflag:s21] =	ssyncset.done $0x0  }
0x15: {  	[sflag:s21] =	ssyncadd.s32 $0xFFFFEC00  }
.LBB2_1:
0x16: {  	[tilespmem:s11], [sflag:$0x6] =	stream.linear.gather [hbm4b:s6+s4], $0x80, $0x38;
	[tilespmem:$0x1FF80] =	vst v63  }
0x17: {  	_ =	swait.ge [sflag:s12], $0x80  }
0x18: {  	[sflag:s12] =	ssyncset.done $0x0  }
0x19: {  	[sflag:s12] =	ssyncadd.s32 $0xFFFFFF80  }
0x1a: {  	[tilespmem:s4], [sflag:$0x1] =	stream.linear.gather [hbm4b:s3+s4], $0x18700, $0x38;
	[tilespmem:$0x1FF80] =	vst v63  }
0x1b: {  	_ = 	snop  }
0x1c: {  	[tilespmem:s13], [sflag:$0x2] =	stream.linear.gather [hbm4b:s8+s4], $0x2800, $0x38;
	[tilespmem:$0x1FF80] =	vst v63  }
0x1d: {  	_ = 	snop  }
0x1e: {  	[tilespmem:s14], [sflag:$0x3] =	stream.linear.gather [hbm4b:s9+s4], $0x2800, $0x38;
	[tilespmem:$0x1FF80] =	vst v63  }
0x1f: {  	_ =	swait.ge [sflag:s15], $0x18700  }
0x20: {  	[sflag:s15] =	ssyncset.done $0x0  }
0x21: {  	s23 =	simm.s32 $0x40;
	[sflag:s15] =	ssyncadd.s32 $0xFFFE7900  }
0x22: {  	v0 =	vld [tilespmem:s23+$0x30]  }
0x23: {  	v1 =	vld [tilespmem:s23+$0xFFFFFFD0]  }
0x24: {  	v2 =	vld [tilespmem:s23+$0xFFFFFFE0]  }
0x25: {  	v3 =	vld [tilespmem:s23+$0xFFFFFFF0]  }
0x26: {  	v4 =	vld [tilespmem:s23+$0x0]  }
0x27: {  	v6 =	vld [tilespmem:s23+$0x10]  }
0x28: {  	v7 =	vld [tilespmem:s23+$0x20]  }
0x29: {  	v8 =	vld [tilespmem:s23+$0xFFFFFFC0]  }
0x2a: {  	v9 =	vld.idx.msk [tilespmem:v0+s11+$0x0], $0xffff  }
0x2b: {  	v10 =	vld.idx.msk [tilespmem:v1+s11+$0x0], $0xffff  }
0x2c: {  	v5 =	vld.idx.msk [tilespmem:v2+s11+$0x0], $0xffff  }
0x2d: {  	v3 =	vld.idx.msk [tilespmem:v3+s11+$0x0], $0xffff  }
0x2e: {  	v2 =	vld.idx.msk [tilespmem:v4+s11+$0x0], $0xffff  }
0x2f: {  	v0 =	vld.idx.msk [tilespmem:v6+s11+$0x0], $0xffff  }
0x30: {  	s26 =	simm.s32 $0x0;
	v1 =	vld.idx.msk [tilespmem:v7+s11+$0x0], $0xffff;
	[tilespmem:s23+$0x30] =	vst v9  }
0x31: {  	s24 =	simm.s32 $0x18670;
	s25 =	simm.s32 $0x18680;
	s28 =	simm.s32 $0xC0;
	v4 =	vld.idx.msk [tilespmem:v8+s11+$0x0], $0xffff;
	[tilespmem:s23+$0xFFFFFFD0] =	vst v10  }
.LBB2_2:
0x32: {  	v6 =	vld [tilespmem:s28+$0x30];
	s26 =	sadd.s32 $0x80, s26;
	[tilespmem:s23+$0xFFFFFFE0] =	vst v5  }
0x33: {  	v5 =	vld [tilespmem:s28+$0xFFFFFFD0];
	p0 =	slt.u32 s26, $0x18600;
	[tilespmem:s23+$0xFFFFFFF0] =	vst v3  }
0x34: {  	v3 =	vld [tilespmem:s28+$0xFFFFFFE0];
	[tilespmem:s23+$0x0] =	vst v2  }
0x35: {  	v2 =	vld [tilespmem:s28+$0xFFFFFFF0];
	[tilespmem:s23+$0x10] =	vst v0  }
0x36: {  	v0 =	vld [tilespmem:s28+$0x0];
	[tilespmem:s23+$0x20] =	vst v1  }
0x37: {  	v1 =	vld [tilespmem:s28+$0x10];
	[tilespmem:s23+$0xFFFFFFC0] =	vst v4;
	s23 =	smov.u32 s28  }
0x38: {  	v4 =	vld [tilespmem:s28+$0x20]  }
0x39: {  	v7 =	vld [tilespmem:s28+$0xFFFFFFC0]  }
0x3a: {  	v6 =	vld.idx.msk [tilespmem:v6+s11+$0x0], $0xffff  }
0x3b: {  	v8 =	vld.idx.msk [tilespmem:v5+s11+$0x0], $0xffff  }
0x3c: {  	v5 =	vld.idx.msk [tilespmem:v3+s11+$0x0], $0xffff  }
.Ltmp2:
0x3d: {  	v3 =	vld.idx.msk [tilespmem:v2+s11+$0x0], $0xffff;
	(pc) =	sbr.rel @p0 .LBB2_2-.Ltmp2, $4  }
0x3e: {  	v2 =	vld.idx.msk [tilespmem:v0+s11+$0x0], $0xffff  }
0x3f: {  	v0 =	vld.idx.msk [tilespmem:v1+s11+$0x0], $0xffff  }
0x40: {  	v1 =	vld.idx.msk [tilespmem:v4+s11+$0x0], $0xffff;
	[tilespmem:s28+$0x30] =	vst v6  }
0x41: {  	s28 =	sadd.s32 $0x80, s28;
	v4 =	vld.idx.msk [tilespmem:v7+s11+$0x0], $0xffff;
	[tilespmem:s23+$0xFFFFFFD0] =	vst v8  }
0x42: {  	[tilespmem:s23+$0xFFFFFFE0] =	vst v5  }
0x43: {  	[tilespmem:s23+$0xFFFFFFF0] =	vst v3  }
0x44: {  	[tilespmem:s23+$0x0] =	vst v2  }
0x45: {  	[tilespmem:s23+$0x10] =	vst v0  }
0x46: {  	[tilespmem:s23+$0x20] =	vst v1  }
0x47: {  	[tilespmem:s23+$0xFFFFFFC0] =	vst v4  }
.LBB2_4:
0x48: {  	v0 =	vld [tilespmem:s25+$0x0];
	_ =	sdelay $0x6  }
0x49: {  	s24 =	sadd.s32 $0x10, s24  }
0x4a: {  	p0 =	slt.u32 s24, $0x18690;
	v0 =	vld.idx.msk [tilespmem:v0+s11+$0x0], $0xffff  }
.Ltmp3:
0x4b: {  	_ = 	snop;
	(pc) =	sbr.rel @p0 .LBB2_4-.Ltmp3, $2  }
0x4c: {  	_ =	sdelay $0x2  }
0x4d: {  	[tilespmem:s25+$0x0] =	vst v0;
	s25 =	sadd.s32 $0x10, s25  }
.Ltmp4:
0x4e: {  	(pc) =	sbr.rel .LBB2_6-.Ltmp4, $3  }
0x4f: {  	_ =	sdelay $0x1  }
0x50: {  	[bflag:$0x0] =	sbarrier.arrive $0xFFFF  }
0x51: {  	s23 =	simm.s32 $0x0  }
.LBB2_12:
0x52: {  	s23 =	sadd.s32 $0x1, s23  }
0x53: {  	p0 =	sne.s32 s23, $0x14  }
.Ltmp5:
0x54: {  	_ = 	snop;
	(pc) =	sbr.rel @!p0 .LBB2_13-.Ltmp5, $1  }
0x55: {  	_ =	sdelay $0x3  }
.LBB2_6:
0x56: {  	p0 =	seq.s32 s23, $0x0  }
0x57: {  	s24 =	simm.s32 @!p0 $0x4  }
0x58: {  	_ =	swait.ge @!p0 [sflag:s24], $0x1400  }
0x59: {  	[sflag:s24] =	ssyncset.done @!p0 $0x0  }
0x5a: {  	[sflag:s24] =	ssyncadd.s32 @!p0 $0xFFFFEC00  }
0x5b: {  	_ =	swait.ge [sflag:s16], $0x2800  }
0x5c: {  	[sflag:s16] =	ssyncset.done $0x0  }
0x5d: {  	s30 =	simm.s32 $0x18800;
	[sflag:s16] =	ssyncadd.s32 $0xFFFFD800  }
0x5e: {  	v0 =	vld [tilespmem:s30+$0xFFFFFFF0]  }
0x5f: {  	v1 =	vld [tilespmem:s30+$0x70]  }
0x60: {  	v2 =	vld [tilespmem:s30+$0x0]  }
0x61: {  	v3 =	vld [tilespmem:s30+$0xFFFFFF90]  }
0x62: {  	v4 =	vld [tilespmem:s30+$0x10]  }
0x63: {  	v5 =	vld [tilespmem:s30+$0xFFFFFFA0]  }
0x64: {  	v6 =	vld [tilespmem:s30+$0x20]  }
0x65: {  	v7 =	vld [tilespmem:s30+$0xFFFFFFB0]  }
0x66: {  	v9 =	vld [tilespmem:s30+$0xFFFFFFC0]  }
0x67: {  	v10 =	vld [tilespmem:s30+$0x40]  }
0x68: {  	v11 =	vld [tilespmem:s30+$0xFFFFFFD0]  }
0x69: {  	v12 =	vld [tilespmem:s30+$0x50]  }
0x6a: {  	v13 =	vld [tilespmem:s30+$0xFFFFFFE0]  }
0x6b: {  	v14 =	vld [tilespmem:s30+$0x60]  }
0x6c: {  	v15 =	vld [tilespmem:s30+$0xFFFFFF80]  }
0x6d: {  	v8 =	vld.idx.msk [tilespmem:v0+s4+$0x0], $0xffff  }
0x6e: {  	v1 =	vld.idx.msk [tilespmem:v1+s4+$0x0], $0xffff  }
0x6f: {  	v0 =	vld [tilespmem:s30+$0x30]  }
0x70: {  	v16 =	vld.idx.msk [tilespmem:v2+s4+$0x0], $0xffff  }
0x71: {  	v3 =	vld.idx.msk [tilespmem:v3+s4+$0x0], $0xffff  }
0x72: {  	v4 =	vld.idx.msk [tilespmem:v4+s4+$0x0], $0xffff  }
0x73: {  	v5 =	vld.idx.msk [tilespmem:v5+s4+$0x0], $0xffff  }
0x74: {  	v6 =	vld.idx.msk [tilespmem:v6+s4+$0x0], $0xffff  }
0x75: {  	v7 =	vld.idx.msk [tilespmem:v7+s4+$0x0], $0xffff  }
0x76: {  	v15 =	vld.idx.msk [tilespmem:v15+s4+$0x0], $0xffff  }
0x77: {  	v17 =	vld.idx.msk [tilespmem:v0+s4+$0x0], $0xffff  }
0x78: {  	v2 =	vld.idx.msk [tilespmem:v10+s4+$0x0], $0xffff  }
0x79: {  	v8 =	vadd.f32 v1, v8;
	v1 =	vld.idx.msk [tilespmem:v11+s4+$0x0], $0xffff  }
0x7a: {  	s25 =	simm.s32 $0x1D7C0;
	v3 =	vadd.f32 v4, v3;
	v0 =	vld.idx.msk [tilespmem:v9+s4+$0x0], $0xffff  }
0x7b: {  	v5 =	vadd.f32 v6, v5;
	v4 =	vld.idx.msk [tilespmem:v12+s4+$0x0], $0xffff;
	[tilespmem:s25+$0x30] =	vst v8  }
0x7c: {  	s31 =	sshll.u32 s23, $0x6;
	[tilespmem:s25+$0xFFFFFFD0] =	vst v3;
	v3 =	vld.idx.msk [tilespmem:v13+s4+$0x0], $0xffff;
	v7 =	vadd.f32 v17, v7  }
0x7d: {  	s26 =	simm.s32 $0x0;
	s28 =	simm.s32 $0x18900;
	s24 =	sor.u32 s5, s31;
	v6 =	vadd.f32 v16, v15;
	[tilespmem:s25+$0xFFFFFFE0] =	vst v5;
	v5 =	vld.idx.msk [tilespmem:v14+s4+$0x0], $0xffff  }
.LBB2_7:
0x7e: {  	v8 =	vld [tilespmem:s28+$0xFFFFFFF0];
	[tilespmem:s25+$0xFFFFFFF0] =	vst v7  }
0x7f: {  	s26 =	sadd.s32 $0x80, s26;
	v0 =	vadd.f32 v2, v0;
	v7 =	vld [tilespmem:s28+$0x70];
	[tilespmem:s25+$0xFFFFFFC0] =	vst v6  }
0x80: {  	p1 =	slt.u32 s26, $0x1380;
	v2 =	vld [tilespmem:s28+$0x0]  }
0x81: {  	v6 =	vld [tilespmem:s28+$0xFFFFFF90];
	[tilespmem:s25+$0x0] =	vst v0;
	v0 =	vadd.f32 v4, v1  }
0x82: {  	v1 =	vld [tilespmem:s28+$0x10]  }
0x83: {  	v4 =	vld [tilespmem:s28+$0xFFFFFFA0];
	[tilespmem:s25+$0x10] =	vst v0;
	v0 =	vadd.f32 v5, v3  }
0x84: {  	v3 =	vld [tilespmem:s28+$0x20]  }
0x85: {  	v5 =	vld [tilespmem:s28+$0xFFFFFFB0];
	[tilespmem:s25+$0x20] =	vst v0  }
0x86: {  	v0 =	vld.idx.msk [tilespmem:v8+s4+$0x0], $0xffff  }
0x87: {  	v7 =	vld.idx.msk [tilespmem:v7+s4+$0x0], $0xffff  }
0x88: {  	v8 =	vld [tilespmem:s28+$0x30]  }
0x89: {  	v9 =	vld [tilespmem:s28+$0xFFFFFFC0]  }
0x8a: {  	v10 =	vld [tilespmem:s28+$0x40]  }
0x8b: {  	v11 =	vld [tilespmem:s28+$0xFFFFFFD0]  }
0x8c: {  	v12 =	vld [tilespmem:s28+$0x50]  }
0x8d: {  	v0 =	vadd.f32 v7, v0;
	v13 =	vld [tilespmem:s28+$0xFFFFFFE0]  }
0x8e: {  	s25 =	sadd.s32 $0x80, s25;
	v14 =	vld [tilespmem:s28+$0x60]  }
0x8f: {  	v7 =	vld [tilespmem:s28+$0xFFFFFF80];
	[tilespmem:s25+$0x30] =	vst v0  }
0x90: {  	v15 =	vld.idx.msk [tilespmem:v2+s4+$0x0], $0xffff  }
0x91: {  	v0 =	vld.idx.msk [tilespmem:v6+s4+$0x0], $0xffff  }
0x92: {  	v1 =	vld.idx.msk [tilespmem:v1+s4+$0x0], $0xffff  }
0x93: {  	v4 =	vld.idx.msk [tilespmem:v4+s4+$0x0], $0xffff  }
0x94: {  	v3 =	vld.idx.msk [tilespmem:v3+s4+$0x0], $0xffff  }
0x95: {  	v5 =	vld.idx.msk [tilespmem:v5+s4+$0x0], $0xffff  }
0x96: {  	v6 =	vld.idx.msk [tilespmem:v8+s4+$0x0], $0xffff  }
0x97: {  	v8 =	vld.idx.msk [tilespmem:v7+s4+$0x0], $0xffff  }
0x98: {  	v1 =	vadd.f32 v1, v0;
	v0 =	vld.idx.msk [tilespmem:v9+s4+$0x0], $0xffff  }
.Ltmp6:
0x99: {  	v2 =	vld.idx.msk [tilespmem:v10+s4+$0x0], $0xffff;
	(pc) =	sbr.rel @p1 .LBB2_7-.Ltmp6, $4  }
0x9a: {  	v3 =	vadd.f32 v3, v4;
	[tilespmem:s25+$0xFFFFFFD0] =	vst v1;
	v1 =	vld.idx.msk [tilespmem:v11+s4+$0x0], $0xffff  }
0x9b: {  	v4 =	vld.idx.msk [tilespmem:v12+s4+$0x0], $0xffff  }
0x9c: {  	v7 =	vadd.f32 v6, v5;
	[tilespmem:s25+$0xFFFFFFE0] =	vst v3;
	v3 =	vld.idx.msk [tilespmem:v13+s4+$0x0], $0xffff  }
0x9d: {  	s28 =	sadd.s32 $0x100, s28;
	v6 =	vadd.f32 v15, v8;
	v5 =	vld.idx.msk [tilespmem:v14+s4+$0x0], $0xffff  }
0x9e: {  	_ =	sdelay $0x1  }
0x9f: {  	[tilespmem:s25+$0xFFFFFFF0] =	vst v7;
	v0 =	vadd.f32 v2, v0;
	s26 =	smul.u32 $0x280, s24  }
0xa0: {  	p1 =	sgt.u32 s24, $0x4A1;
	[tilespmem:s25+$0xFFFFFFC0] =	vst v6;
	v1 =	vadd.f32 v4, v1  }
0xa1: {  	[tilespmem:s25+$0x0] =	vst v0;
	s31 =	sadd.s32 s7, s26;
	s26 =	smul.u32 @!p1 $0x2800, s24;
	v63 =	vadd.f32 v5, v3  }
0xa2: {  	[tilespmem:s25+$0x10] =	vst v1  }
0xa3: {  	[tilespmem:s25+$0x20] =	vst v63;
	s25 =	sshrl.u32 @!p1 s26, $0x3  }
0xa4: {  	[hbm4b:s31+s4] =	stream.linear.scatter [tilespmem:s17], [sflag:$0x4], $0x1400, $0x38;
	[tilespmem:$0x1FF80] =	vst v63  }
0xa5: {  	s25 =	sadd.s32 @!p1 s1, s25  }
0xa6: {  	s28 =	simm.s32 @!p1 $0x18780;
	s26 =	simm.s32 @!p1 $0x0;
	s25 =	sadd.s32 @!p1 $0x14000, s25  }
0xa7: {  	[tilespmem:s28], [sflag:$0x2] =	stream.linear.gather @!p1 [hbm4b:s25+s26], $0x2800, $0x38;
	[tilespmem:$0x1FF80] =	vst v63  }
0xa8: {  	s25 =	sor.u32 $0x20, s24  }
0xa9: {  	p1 =	sgt.u32 s25, $0x4E1  }
.Ltmp7:
0xaa: {  	_ = 	snop;
	(pc) =	sbr.rel @p1 .LBB2_12-.Ltmp7, $1  }
0xab: {  	_ =	sdelay $0x3  }
0xac: {  	s26 =	simm.s32 @!p0 $0x5  }
0xad: {  	_ =	swait.ge @!p0 [sflag:s26], $0x1400  }
0xae: {  	[sflag:s26] =	ssyncset.done @!p0 $0x0  }
0xaf: {  	[sflag:s26] =	ssyncadd.s32 @!p0 $0xFFFFEC00  }
0xb0: {  	_ =	swait.ge [sflag:s18], $0x2800  }
0xb1: {  	[sflag:s18] =	ssyncset.done $0x0  }
0xb2: {  	s31 =	simm.s32 $0x1B000;
	[sflag:s18] =	ssyncadd.s32 $0xFFFFD800  }
0xb3: {  	v0 =	vld [tilespmem:s31+$0xFFFFFFF0]  }
0xb4: {  	v1 =	vld [tilespmem:s31+$0x70]  }
0xb5: {  	v2 =	vld [tilespmem:s31+$0x0]  }
0xb6: {  	v3 =	vld [tilespmem:s31+$0xFFFFFF90]  }
0xb7: {  	v4 =	vld [tilespmem:s31+$0x10]  }
0xb8: {  	v5 =	vld [tilespmem:s31+$0xFFFFFFA0]  }
0xb9: {  	v6 =	vld [tilespmem:s31+$0x20]  }
0xba: {  	v7 =	vld [tilespmem:s31+$0xFFFFFFB0]  }
0xbb: {  	v9 =	vld [tilespmem:s31+$0xFFFFFFC0]  }
0xbc: {  	v10 =	vld [tilespmem:s31+$0x40]  }
0xbd: {  	v11 =	vld [tilespmem:s31+$0xFFFFFFD0]  }
0xbe: {  	v12 =	vld [tilespmem:s31+$0x50]  }
0xbf: {  	v13 =	vld [tilespmem:s31+$0xFFFFFFE0]  }
0xc0: {  	v14 =	vld [tilespmem:s31+$0x60]  }
0xc1: {  	v15 =	vld [tilespmem:s31+$0xFFFFFF80]  }
0xc2: {  	v8 =	vld.idx.msk [tilespmem:v0+s4+$0x0], $0xffff  }
0xc3: {  	v1 =	vld.idx.msk [tilespmem:v1+s4+$0x0], $0xffff  }
0xc4: {  	v0 =	vld [tilespmem:s31+$0x30]  }
0xc5: {  	v16 =	vld.idx.msk [tilespmem:v2+s4+$0x0], $0xffff  }
0xc6: {  	v3 =	vld.idx.msk [tilespmem:v3+s4+$0x0], $0xffff  }
0xc7: {  	v4 =	vld.idx.msk [tilespmem:v4+s4+$0x0], $0xffff  }
0xc8: {  	v5 =	vld.idx.msk [tilespmem:v5+s4+$0x0], $0xffff  }
0xc9: {  	v6 =	vld.idx.msk [tilespmem:v6+s4+$0x0], $0xffff  }
0xca: {  	v7 =	vld.idx.msk [tilespmem:v7+s4+$0x0], $0xffff  }
0xcb: {  	v15 =	vld.idx.msk [tilespmem:v15+s4+$0x0], $0xffff  }
0xcc: {  	v17 =	vld.idx.msk [tilespmem:v0+s4+$0x0], $0xffff  }
0xcd: {  	v2 =	vld.idx.msk [tilespmem:v10+s4+$0x0], $0xffff  }
0xce: {  	v8 =	vadd.f32 v1, v8;
	v1 =	vld.idx.msk [tilespmem:v11+s4+$0x0], $0xffff  }
0xcf: {  	s26 =	simm.s32 $0x1EBC0;
	v3 =	vadd.f32 v4, v3;
	v0 =	vld.idx.msk [tilespmem:v9+s4+$0x0], $0xffff  }
0xd0: {  	v5 =	vadd.f32 v6, v5;
	v4 =	vld.idx.msk [tilespmem:v12+s4+$0x0], $0xffff;
	[tilespmem:s26+$0x30] =	vst v8  }
0xd1: {  	[tilespmem:s26+$0xFFFFFFD0] =	vst v3;
	v3 =	vld.idx.msk [tilespmem:v13+s4+$0x0], $0xffff;
	v7 =	vadd.f32 v17, v7  }
0xd2: {  	s28 =	simm.s32 $0x0;
	s29 =	simm.s32 $0x1B100;
	v6 =	vadd.f32 v16, v15;
	[tilespmem:s26+$0xFFFFFFE0] =	vst v5;
	v5 =	vld.idx.msk [tilespmem:v14+s4+$0x0], $0xffff  }
.LBB2_10:
0xd3: {  	v8 =	vld [tilespmem:s29+$0xFFFFFFF0];
	[tilespmem:s26+$0xFFFFFFF0] =	vst v7  }
0xd4: {  	s28 =	sadd.s32 $0x80, s28;
	v0 =	vadd.f32 v2, v0;
	v7 =	vld [tilespmem:s29+$0x70];
	[tilespmem:s26+$0xFFFFFFC0] =	vst v6  }
0xd5: {  	p0 =	slt.u32 s28, $0x1380;
	v2 =	vld [tilespmem:s29+$0x0]  }
0xd6: {  	v6 =	vld [tilespmem:s29+$0xFFFFFF90];
	[tilespmem:s26+$0x0] =	vst v0;
	v0 =	vadd.f32 v4, v1  }
0xd7: {  	v1 =	vld [tilespmem:s29+$0x10]  }
0xd8: {  	v4 =	vld [tilespmem:s29+$0xFFFFFFA0];
	[tilespmem:s26+$0x10] =	vst v0;
	v0 =	vadd.f32 v5, v3  }
0xd9: {  	v3 =	vld [tilespmem:s29+$0x20]  }
0xda: {  	v5 =	vld [tilespmem:s29+$0xFFFFFFB0];
	[tilespmem:s26+$0x20] =	vst v0  }
0xdb: {  	v0 =	vld.idx.msk [tilespmem:v8+s4+$0x0], $0xffff  }
0xdc: {  	v7 =	vld.idx.msk [tilespmem:v7+s4+$0x0], $0xffff  }
0xdd: {  	v8 =	vld [tilespmem:s29+$0x30]  }
0xde: {  	v9 =	vld [tilespmem:s29+$0xFFFFFFC0]  }
0xdf: {  	v10 =	vld [tilespmem:s29+$0x40]  }
0xe0: {  	v11 =	vld [tilespmem:s29+$0xFFFFFFD0]  }
0xe1: {  	v12 =	vld [tilespmem:s29+$0x50]  }
0xe2: {  	v0 =	vadd.f32 v7, v0;
	v13 =	vld [tilespmem:s29+$0xFFFFFFE0]  }
0xe3: {  	s26 =	sadd.s32 $0x80, s26;
	v14 =	vld [tilespmem:s29+$0x60]  }
0xe4: {  	v7 =	vld [tilespmem:s29+$0xFFFFFF80];
	[tilespmem:s26+$0x30] =	vst v0  }
0xe5: {  	v15 =	vld.idx.msk [tilespmem:v2+s4+$0x0], $0xffff  }
0xe6: {  	v0 =	vld.idx.msk [tilespmem:v6+s4+$0x0], $0xffff  }
0xe7: {  	v1 =	vld.idx.msk [tilespmem:v1+s4+$0x0], $0xffff  }
0xe8: {  	v4 =	vld.idx.msk [tilespmem:v4+s4+$0x0], $0xffff  }
0xe9: {  	v3 =	vld.idx.msk [tilespmem:v3+s4+$0x0], $0xffff  }
0xea: {  	v5 =	vld.idx.msk [tilespmem:v5+s4+$0x0], $0xffff  }
0xeb: {  	v6 =	vld.idx.msk [tilespmem:v8+s4+$0x0], $0xffff  }
0xec: {  	v8 =	vld.idx.msk [tilespmem:v7+s4+$0x0], $0xffff  }
0xed: {  	v1 =	vadd.f32 v1, v0;
	v0 =	vld.idx.msk [tilespmem:v9+s4+$0x0], $0xffff  }
.Ltmp8:
0xee: {  	v2 =	vld.idx.msk [tilespmem:v10+s4+$0x0], $0xffff;
	(pc) =	sbr.rel @p0 .LBB2_10-.Ltmp8, $4  }
0xef: {  	v3 =	vadd.f32 v3, v4;
	[tilespmem:s26+$0xFFFFFFD0] =	vst v1;
	v1 =	vld.idx.msk [tilespmem:v11+s4+$0x0], $0xffff  }
0xf0: {  	v4 =	vld.idx.msk [tilespmem:v12+s4+$0x0], $0xffff  }
0xf1: {  	v7 =	vadd.f32 v6, v5;
	[tilespmem:s26+$0xFFFFFFE0] =	vst v3;
	v3 =	vld.idx.msk [tilespmem:v13+s4+$0x0], $0xffff  }
0xf2: {  	s29 =	sadd.s32 $0x100, s29;
	v6 =	vadd.f32 v15, v8;
	v5 =	vld.idx.msk [tilespmem:v14+s4+$0x0], $0xffff  }
0xf3: {  	_ =	sdelay $0x1  }
0xf4: {  	[tilespmem:s26+$0xFFFFFFF0] =	vst v7;
	v0 =	vadd.f32 v2, v0;
	p0 =	sgt.u32 s24, $0x481  }
0xf5: {  	[tilespmem:s26+$0xFFFFFFC0] =	vst v6;
	s24 =	smul.u32 @!p0 $0x2800, s24;
	v1 =	vadd.f32 v4, v1  }
0xf6: {  	s25 =	smul.u32 $0x280, s25;
	[tilespmem:s26+$0x0] =	vst v0;
	v63 =	vadd.f32 v5, v3  }
.Ltmp9:
0xf7: {  	s24 =	sshrl.u32 @!p0 s24, $0x3;
	[tilespmem:s26+$0x10] =	vst v1;
	(pc) =	sbr.rel .LBB2_12-.Ltmp9, $4  }
0xf8: {  	s25 =	sadd.s32 s7, s25;
	s24 =	sadd.s32 @!p0 s1, s24;
	[tilespmem:s26+$0x20] =	vst v63  }
0xf9: {  	[hbm4b:s25+s4] =	stream.linear.scatter [tilespmem:s19], [sflag:$0x5], $0x1400, $0x38;
	[tilespmem:$0x1FF80] =	vst v63  }
0xfa: {  	s24 =	sadd.s32 @!p0 $0x1E000, s24;
	s26 =	simm.s32 @!p0 $0x1AF80;
	s25 =	simm.s32 @!p0 $0x0  }
0xfb: {  	[tilespmem:s26], [sflag:$0x3] =	stream.linear.gather @!p0 [hbm4b:s24+s25], $0x2800, $0x38;
	[tilespmem:$0x1FF80] =	vst v63  }
.LBB2_14:
0xfc: {  	_ =	sfence.sel $0x180000  }
0xfd: {  	[bflag:$0x0] =	sbarrier.arrive $0xFFFF  }
0xfe: {  	p0 =	sne.s32 s0, $0x0;
	_ =	strace $0x90000047  }
0xff: {  	s0 =	sadd.s32 @!p0 $0x100000, s2;
	[bflag:$0x2] =	sbarrier.arrive $0xFFFF  }
0x100: {  	[sflag:s0] =	ssyncadd.tile.s32 @!p0 $0x1;
	_ =	shalt  }
.Lfunc_end2:
_tile_overlayer_lowered:
.L_overlay_start_2:
0x101: {  	(tag) =	ssettag $0x2  }
0x102: {  	s0 =	rddreg [dreg:$0x0];
	s2 =	stileid.u32  }
0x103: {  	s1 =	rddreg [dreg:$0x1];
	p0 =	sne.s32 s2, $0x0  }
0x104: {  	s3 =	rddreg [dreg:$0x2];
	[bflag:$0x3] =	sbarrier.arrive $0xFFFF;
	s2 =	simm.s32 @!p0 $0x1C06  }
0x105: {  	[timem:s3], [sflag:s2] =	dma.local @!p0 [hbm:s0], s1  }
0x106: {  	s0 =	simm.s32 @!p0 $0x6  }
0x107: {  	_ =	swait.ge @!p0 [sflag:s0], s1  }
0x108: {  	s1 =	ssub.s32 @!p0 $0x0, s1;
	[sflag:s0] =	ssyncset.done @!p0 $0x0  }
0x109: {  	[sflag:s0] =	ssyncadd.s32 @!p0 s1  }
0x10a: {  	[bflag:$0x3] =	sbarrier.arrive $0xFFFF  }
0x10b: {  	_ =	shalt  }

</sc_bundles>
